<compile_context>
chip_gen: v7x
topology: tpu7x:2x2x1
jax: 0.10.2.dev20260603
libtpu: 0.0.44.dev20260713+nightly
codegen_flags: <defaults>
</compile_context>

<pallas_src>
import functools

import jax
import jax.numpy as jnp
from jax import lax
from jax.experimental import pallas as pl
from jax.experimental.pallas import tpu as pltpu
from jax.experimental.pallas import tpu_sc as plsc

_B, _N, _F, _R = 8, 8192, 2048, 5
_BLK = 1024
_NSTEPS = (_B * _N) // _BLK
_NW = 32
_CHUNK = (_B * _N) // _NW
_NV = _CHUNK // 16
_WPB = _N // _CHUNK


def _sigmoid(x):
    return 1.0 / (1.0 + jnp.exp(-x))



def _matvec_body(feats_ref, w_ref, scores_ref):
    row = lax.dot_general(w_ref[...], feats_ref[...],
                          (((0,), (1,)), ((), ())),
                          preferred_element_type=jnp.float32)
    scores_ref[0] = row


def _matvec(feats2d, w2d):
    return pl.pallas_call(
        _matvec_body,
        grid=(_NSTEPS,),
        in_specs=[
            pl.BlockSpec((_BLK, _F), lambda j: (j, 0)),
            pl.BlockSpec((_F, 1), lambda j: (0, 0)),
        ],
        out_specs=pl.BlockSpec((1, 1, _BLK), lambda j: (j, 0, 0)),
        out_shape=jax.ShapeDtypeStruct((_NSTEPS, 1, _BLK), jnp.float32),
    )(feats2d, w2d)



def _sc_select_body(scores_hbm, cand_hbm, chunk_v, cand_v):
    cid = lax.axis_index("c")
    sid = lax.axis_index("s")
    wid = cid * 16 + sid
    pltpu.sync_copy(scores_hbm.at[pl.ds(wid * _CHUNK, _CHUNK)], chunk_v)

    neg = jnp.full((16,), -jnp.inf, jnp.float32)
    pos = jnp.full((16,), jnp.inf, jnp.float32)

    def body(i, carry):
        tops = list(carry[:_R])
        bots = list(carry[_R:])
        v = chunk_v[pl.ds(i * 16, 16)]
        for k in range(_R):
            hi = jnp.maximum(tops[k], v)
            v = jnp.minimum(tops[k], v)
            tops[k] = hi
        w = chunk_v[pl.ds(i * 16, 16)]
        for k in range(_R):
            lo = jnp.minimum(bots[k], w)
            w = jnp.maximum(bots[k], w)
            bots[k] = lo
        return tuple(tops) + tuple(bots)

    carry = lax.fori_loop(0, _NV, body, (neg,) * _R + (pos,) * _R, unroll=2)
    for k in range(_R):
        cand_v[k, :] = carry[_R + k]
        cand_v[_R + k, :] = carry[k]
    pltpu.sync_copy(cand_v, cand_hbm.at[wid])


def _sc_select(scores_flat):
    mesh = plsc.VectorSubcoreMesh(core_axis_name="c", subcore_axis_name="s")
    fn = functools.partial(
        pl.kernel,
        out_type=jax.ShapeDtypeStruct((_NW, 2 * _R, 16), jnp.float32),
        mesh=mesh,
        scratch_types=[
            pltpu.VMEM((_CHUNK,), jnp.float32),
            pltpu.VMEM((2 * _R, 16), jnp.float32),
        ],
    )(_sc_select_body)
    return fn(scores_flat)



def _mlp_body(bots_ref, tops_ref, W1_ref, b1_ref, W2_ref, b2_ref, W3_ref,
              b3_ref, logits_ref, probs_ref):
    ncand = _WPB * _R * 16
    iota = lax.broadcasted_iota(jnp.int32, (_B, ncand), 1)
    big = jnp.int32(ncand)
    picks = []
    v = bots_ref[...]
    for _ in range(_R):
        m = jnp.min(v, axis=1, keepdims=True)
        picks.append(m)
        idx = jnp.min(jnp.where(v == m, iota, big), axis=1, keepdims=True)
        v = jnp.where(iota == idx, jnp.inf, v)
    tops = []
    v = tops_ref[...]
    for _ in range(_R):
        m = jnp.max(v, axis=1, keepdims=True)
        tops.append(m)
        idx = jnp.min(jnp.where(v == m, iota, big), axis=1, keepdims=True)
        v = jnp.where(iota == idx, -jnp.inf, v)
    x = jnp.concatenate(picks + tops[::-1], axis=1)
    h = _sigmoid(jnp.dot(x, W1_ref[...],
                         preferred_element_type=jnp.float32) + b1_ref[...])
    h = _sigmoid(jnp.dot(h, W2_ref[...],
                         preferred_element_type=jnp.float32) + b2_ref[...])
    lg = jnp.dot(h, W3_ref[...],
                 preferred_element_type=jnp.float32) + b3_ref[...]
    logits_ref[...] = lg
    probs_ref[...] = _sigmoid(lg)


def _mlp(bots, tops, W1, b1r, W2, b2r, W3, b3r):
    ncand = _WPB * _R * 16
    return pl.pallas_call(
        _mlp_body,
        in_specs=[
            pl.BlockSpec((_B, ncand), lambda: (0, 0)),
            pl.BlockSpec((_B, ncand), lambda: (0, 0)),
            pl.BlockSpec(W1.shape, lambda: (0, 0)),
            pl.BlockSpec(b1r.shape, lambda: (0, 0)),
            pl.BlockSpec(W2.shape, lambda: (0, 0)),
            pl.BlockSpec(b2r.shape, lambda: (0, 0)),
            pl.BlockSpec(W3.shape, lambda: (0, 0)),
            pl.BlockSpec(b3r.shape, lambda: (0, 0)),
        ],
        out_specs=[
            pl.BlockSpec((_B, 1), lambda: (0, 0)),
            pl.BlockSpec((_B, 1), lambda: (0, 0)),
        ],
        out_shape=[
            jax.ShapeDtypeStruct((_B, 1), jnp.float32),
            jax.ShapeDtypeStruct((_B, 1), jnp.float32),
        ],
    )(bots, tops, W1, b1r, W2, b2r, W3, b3r)


def kernel(feats, w_conv, W1, b1, W2, b2, W3, b3):
    feats2d = feats.reshape(_B * _N, _F)
    w2d = w_conv.reshape(_F, 1)
    scores = _matvec(feats2d, w2d)
    cand = _sc_select(scores.reshape(_B * _N))
    cand4 = cand.reshape(_B, _WPB, 2 * _R, 16)
    bots = cand4[:, :, :_R, :].reshape(_B, _WPB * _R * 16)
    tops = cand4[:, :, _R:, :].reshape(_B, _WPB * _R * 16)
    logits, probs = _mlp(bots, tops, W1, b1.reshape(1, -1), W2,
                         b2.reshape(1, -1), W3, b3.reshape(1, -1))
    return logits, probs

# --- scband reference (transcript-rebuilt; emitter-appended) ---
"""Pipeline reference for scband-model-26190710571339 (READ-ONLY COPY).

The authoritative reference and input builder live on the scoring server;
editing this copy changes nothing except your own understanding.
"""

import jax, jax.numpy as jnp
import numpy as np

B, N, F, R = 8, 8192, 2048, 5

def setup_inputs(seed: int = 0) -> dict:
    key = jax.random.key(seed)
    ks = jax.random.split(key, 8)
    feats = jax.random.normal(ks[0], (B, N, F), dtype=jnp.float32)
    # conv1x1: nn.Conv1d(2048, 1, kernel_size=1, bias=False) -> weight [1, 2048, 1] ~ vector [2048]
    w_conv = jax.random.normal(ks[1], (F,), dtype=jnp.float32) * (1.0 / np.sqrt(F))
    # mlp: Linear(2R,200) -> Sigmoid -> Dropout(eval: identity) -> Linear(200,100) -> Sigmoid -> Dropout -> Linear(100,1)
    W1 = jax.random.normal(ks[2], (2 * R, 200), dtype=jnp.float32) * (1.0 / np.sqrt(2 * R))
    b1 = jax.random.normal(ks[3], (200,), dtype=jnp.float32) * 0.01
    W2 = jax.random.normal(ks[4], (200, 100), dtype=jnp.float32) * (1.0 / np.sqrt(200))
    b2 = jax.random.normal(ks[5], (100,), dtype=jnp.float32) * 0.01
    W3 = jax.random.normal(ks[6], (100, 1), dtype=jnp.float32) * (1.0 / np.sqrt(100))
    b3 = jax.random.normal(ks[7], (1,), dtype=jnp.float32) * 0.01
    return {"feats": feats, "w_conv": w_conv, "W1": W1, "b1": b1, "W2": W2, "b2": b2, "W3": W3, "b3": b3}

def reference(feats, w_conv, W1, b1, W2, b2, W3, b3):
    # feats: [B, N, F]; transpose + 1x1 conv == per-tile dot product with w_conv
    scores = jnp.einsum('bnf,f->bn', feats, w_conv)  # [B, N]
    # vals, inds = feats.sort(dim=1)
    inds = jnp.argsort(scores, axis=1)  # ascending, [B, N]
    minmax_inds = jnp.concatenate([inds[:, :R], inds[:, -R:]], axis=1)  # [B, 2R]
    minmax_feats = jnp.take_along_axis(scores, minmax_inds, axis=1)  # [B, 2R]
    # MLP (dropout is identity in eval mode)
    h = jax.nn.sigmoid(minmax_feats @ W1 + b1)
    h = jax.nn.sigmoid(h @ W2 + b2)
    logits = h @ W3 + b3  # [B, 1]
    probs = jax.nn.sigmoid(logits)
    return logits, probs

if __name__ == "__main__":
    import jax
    _d = setup_inputs()
    print(jax.jit(kernel)(*tuple(_d.values())))

</pallas_src>

<mosaic_0001>
#map = affine_map<(d0, d1) -> (0)>
#map1 = affine_map<(d0, d1) -> (0, 0, 0)>
module attributes {stable_mosaic.version = 14 : i64} {
  func.func @_sc_select_body(%arg0: i32, %arg1: i32, %arg2: memref<65536xf32, #tpu.memory_space<hbm>>, %arg3: memref<32x10x16xf32, #tpu.memory_space<hbm>>, %arg4: memref<2048xf32, #tpu.memory_space<vmem>>, %arg5: memref<10x16xf32, #tpu.memory_space<vmem>>) attributes {dimension_semantics = [#tpu.dimension_semantics<core_parallel>, #tpu.dimension_semantics<subcore_parallel>], iteration_bounds = array<i64: 2, 16>, scalar_prefetch = 0 : i64, scratch_operands = 2 : i64, tpu.core_type = #tpu.core_type<sc_vector_subcore>, window_params = [{transform_indices = #map}, {transform_indices = #map1}]} {
    %mul3A = arith.constant 16 : i32
    %mul3A_0 = arith.muli %arg0, %mul3A : i32
    %add3A = arith.addi %mul3A_0, %arg1 : i32
    %mul3A_1 = arith.constant 2048 : i32
    %mul3A_2 = arith.muli %add3A, %mul3A_1 : i32
    "tpu.region"() ({
      %run_scoped3A = tpu.sem_alloc : memref<!tpu.dma_semaphore, #tpu.memory_space<semaphore_mem>>
      %dma_start3A = tpu.memref_slice %arg2[%mul3A_2] : memref<65536xf32, #tpu.memory_space<hbm>> -> memref<2048xf32, #tpu.memory_space<hbm>>
      %dma_start3A_70 = tpu.memref_slice %arg2[%mul3A_2] : memref<65536xf32, #tpu.memory_space<hbm>> -> memref<2048xf32, #tpu.memory_space<hbm>>
      tpu.enqueue_dma source(%dma_start3A_70 : memref<2048xf32, #tpu.memory_space<hbm>>) target(%arg4 : memref<2048xf32, #tpu.memory_space<vmem>>) target_semaphore(%run_scoped3A : memref<!tpu.dma_semaphore, #tpu.memory_space<semaphore_mem>>)
      %dma_wait3A = tpu.memref_slice %arg2[%mul3A_2] : memref<65536xf32, #tpu.memory_space<hbm>> -> memref<2048xf32, #tpu.memory_space<hbm>>
      %dma_wait3A_71 = tpu.memref_slice %arg2[%mul3A_2] : memref<65536xf32, #tpu.memory_space<hbm>> -> memref<2048xf32, #tpu.memory_space<hbm>>
      tpu.wait_dma2 semaphore(%run_scoped3A : memref<!tpu.dma_semaphore, #tpu.memory_space<semaphore_mem>>) src(%dma_wait3A_71 : memref<2048xf32, #tpu.memory_space<hbm>>) dst(%arg4 : memref<2048xf32, #tpu.memory_space<vmem>>)
      tpu.yield
    }) : () -> ()
    %broadcast_in_dim3A = arith.constant 0xFF800000 : f32
    %broadcast_in_dim3A_3 = vector.broadcast %broadcast_in_dim3A : f32 to vector<16xf32>
    %broadcast_in_dim3A_4 = arith.constant 0x7F800000 : f32
    %broadcast_in_dim3A_5 = vector.broadcast %broadcast_in_dim3A_4 : f32 to vector<16xf32>
    %scan3A = arith.constant 0 : i32
    %scan3A_6 = arith.constant 128 : i32
    %scan3A_7 = arith.addi %scan3A, %scan3A_6 : i32
    %scan3A_8 = arith.constant 2 : i32
    %scan3A_9:10 = scf.for %scan3A_70 = %scan3A to %scan3A_7 step %scan3A_8 iter_args(%scan3A_71 = %broadcast_in_dim3A_3, %scan3A_72 = %broadcast_in_dim3A_3, %scan3A_73 = %broadcast_in_dim3A_3, %scan3A_74 = %broadcast_in_dim3A_3, %scan3A_75 = %broadcast_in_dim3A_3, %scan3A_76 = %broadcast_in_dim3A_5, %scan3A_77 = %broadcast_in_dim3A_5, %scan3A_78 = %broadcast_in_dim3A_5, %scan3A_79 = %broadcast_in_dim3A_5, %scan3A_80 = %broadcast_in_dim3A_5) -> (vector<16xf32>, vector<16xf32>, vector<16xf32>, vector<16xf32>, vector<16xf32>, vector<16xf32>, vector<16xf32>, vector<16xf32>, vector<16xf32>, vector<16xf32>)  : i32 {
      %mul3A_81 = arith.constant 16 : i32
      %mul3A_82 = arith.muli %scan3A_70, %mul3A_81 : i32
      %get3A = arith.index_cast %mul3A_82 : i32 to index
      %get3A_83 = tpu.vector_load %arg4[%get3A] {strides = array<i32>} : memref<2048xf32, #tpu.memory_space<vmem>>, vector<16xf32>,
      %get3A_84 = vector.shape_cast %get3A_83 : vector<16xf32> to vector<16xf32>
      %max3A = arith.maximumf %scan3A_71, %get3A_84 : vector<16xf32>
      %min3A = arith.minimumf %scan3A_71, %get3A_84 : vector<16xf32>
      %max3A_85 = arith.maximumf %scan3A_72, %min3A : vector<16xf32>
      %min3A_86 = arith.minimumf %scan3A_72, %min3A : vector<16xf32>
      %max3A_87 = arith.maximumf %scan3A_73, %min3A_86 : vector<16xf32>
      %min3A_88 = arith.minimumf %scan3A_73, %min3A_86 : vector<16xf32>
      %max3A_89 = arith.maximumf %scan3A_74, %min3A_88 : vector<16xf32>
      %min3A_90 = arith.minimumf %scan3A_74, %min3A_88 : vector<16xf32>
      %max3A_91 = arith.maximumf %scan3A_75, %min3A_90 : vector<16xf32>
      %min3A_92 = arith.minimumf %scan3A_75, %min3A_90 : vector<16xf32>
      %mul3A_93 = arith.constant 16 : i32
      %mul3A_94 = arith.muli %scan3A_70, %mul3A_93 : i32
      %get3A_95 = arith.index_cast %mul3A_94 : i32 to index
      %get3A_96 = tpu.vector_load %arg4[%get3A_95] {strides = array<i32>} : memref<2048xf32, #tpu.memory_space<vmem>>, vector<16xf32>,
      %get3A_97 = vector.shape_cast %get3A_96 : vector<16xf32> to vector<16xf32>
      %min3A_98 = arith.minimumf %scan3A_76, %get3A_97 : vector<16xf32>
      %max3A_99 = arith.maximumf %scan3A_76, %get3A_97 : vector<16xf32>
      %min3A_100 = arith.minimumf %scan3A_77, %max3A_99 : vector<16xf32>
      %max3A_101 = arith.maximumf %scan3A_77, %max3A_99 : vector<16xf32>
      %min3A_102 = arith.minimumf %scan3A_78, %max3A_101 : vector<16xf32>
      %max3A_103 = arith.maximumf %scan3A_78, %max3A_101 : vector<16xf32>
      %min3A_104 = arith.minimumf %scan3A_79, %max3A_103 : vector<16xf32>
      %max3A_105 = arith.maximumf %scan3A_79, %max3A_103 : vector<16xf32>
      %min3A_106 = arith.minimumf %scan3A_80, %max3A_105 : vector<16xf32>
      %max3A_107 = arith.maximumf %scan3A_80, %max3A_105 : vector<16xf32>
      %scan3A_108 = arith.constant 1 : i32
      %scan3A_109 = arith.addi %scan3A_70, %scan3A_108 : i32
      %mul3A_110 = arith.constant 16 : i32
      %mul3A_111 = arith.muli %scan3A_109, %mul3A_110 : i32
      %get3A_112 = arith.index_cast %mul3A_111 : i32 to index
      %get3A_113 = tpu.vector_load %arg4[%get3A_112] {strides = array<i32>} : memref<2048xf32, #tpu.memory_space<vmem>>, vector<16xf32>,
      %get3A_114 = vector.shape_cast %get3A_113 : vector<16xf32> to vector<16xf32>
      %max3A_115 = arith.maximumf %max3A, %get3A_114 : vector<16xf32>
      %min3A_116 = arith.minimumf %max3A, %get3A_114 : vector<16xf32>
      %max3A_117 = arith.maximumf %max3A_85, %min3A_116 : vector<16xf32>
      %min3A_118 = arith.minimumf %max3A_85, %min3A_116 : vector<16xf32>
      %max3A_119 = arith.maximumf %max3A_87, %min3A_118 : vector<16xf32>
      %min3A_120 = arith.minimumf %max3A_87, %min3A_118 : vector<16xf32>
      %max3A_121 = arith.maximumf %max3A_89, %min3A_120 : vector<16xf32>
      %min3A_122 = arith.minimumf %max3A_89, %min3A_120 : vector<16xf32>
      %max3A_123 = arith.maximumf %max3A_91, %min3A_122 : vector<16xf32>
      %min3A_124 = arith.minimumf %max3A_91, %min3A_122 : vector<16xf32>
      %mul3A_125 = arith.constant 16 : i32
      %mul3A_126 = arith.muli %scan3A_109, %mul3A_125 : i32
      %get3A_127 = arith.index_cast %mul3A_126 : i32 to index
      %get3A_128 = tpu.vector_load %arg4[%get3A_127] {strides = array<i32>} : memref<2048xf32, #tpu.memory_space<vmem>>, vector<16xf32>,
      %get3A_129 = vector.shape_cast %get3A_128 : vector<16xf32> to vector<16xf32>
      %min3A_130 = arith.minimumf %min3A_98, %get3A_129 : vector<16xf32>
      %max3A_131 = arith.maximumf %min3A_98, %get3A_129 : vector<16xf32>
      %min3A_132 = arith.minimumf %min3A_100, %max3A_131 : vector<16xf32>
      %max3A_133 = arith.maximumf %min3A_100, %max3A_131 : vector<16xf32>
      %min3A_134 = arith.minimumf %min3A_102, %max3A_133 : vector<16xf32>
      %max3A_135 = arith.maximumf %min3A_102, %max3A_133 : vector<16xf32>
      %min3A_136 = arith.minimumf %min3A_104, %max3A_135 : vector<16xf32>
      %max3A_137 = arith.maximumf %min3A_104, %max3A_135 : vector<16xf32>
      %min3A_138 = arith.minimumf %min3A_106, %max3A_137 : vector<16xf32>
      %max3A_139 = arith.maximumf %min3A_106, %max3A_137 : vector<16xf32>
      scf.yield %max3A_115, %max3A_117, %max3A_119, %max3A_121, %max3A_123, %min3A_130, %min3A_132, %min3A_134, %min3A_136, %min3A_138 : vector<16xf32>, vector<16xf32>, vector<16xf32>, vector<16xf32>, vector<16xf32>, vector<16xf32>, vector<16xf32>, vector<16xf32>, vector<16xf32>, vector<16xf32>
    }
    %scan3A_10 = arith.constant 128 : i32
    %swap3A = arith.constant 0 : i32
    %swap3A_11 = arith.index_cast %swap3A : i32 to index
    %swap3A_12 = arith.constant 0 : index
    %swap3A_13 = tpu.vector_load %arg5[%swap3A_11, %swap3A_12] {strides = array<i32>} : memref<10x16xf32, #tpu.memory_space<vmem>>, vector<1x16xf32>,
    %swap3A_14 = vector.shape_cast %swap3A_13 : vector<1x16xf32> to vector<16xf32>
    %swap3A_15 = vector.shape_cast %scan3A_9#5 : vector<16xf32> to vector<1x16xf32>
    tpu.vector_store %arg5[%swap3A_11, %swap3A_12], %swap3A_15 {strides = array<i32>} : memref<10x16xf32, #tpu.memory_space<vmem>>, vector<1x16xf32>,
    %swap3A_16 = arith.constant 5 : i32
    %swap3A_17 = arith.index_cast %swap3A_16 : i32 to index
    %swap3A_18 = arith.constant 0 : index
    %swap3A_19 = tpu.vector_load %arg5[%swap3A_17, %swap3A_18] {strides = array<i32>} : memref<10x16xf32, #tpu.memory_space<vmem>>, vector<1x16xf32>,
    %swap3A_20 = vector.shape_cast %swap3A_19 : vector<1x16xf32> to vector<16xf32>
    %swap3A_21 = vector.shape_cast %scan3A_9#0 : vector<16xf32> to vector<1x16xf32>
    tpu.vector_store %arg5[%swap3A_17, %swap3A_18], %swap3A_21 {strides = array<i32>} : memref<10x16xf32, #tpu.memory_space<vmem>>, vector<1x16xf32>,
    %swap3A_22 = arith.constant 1 : i32
    %swap3A_23 = arith.index_cast %swap3A_22 : i32 to index
    %swap3A_24 = arith.constant 0 : index
    %swap3A_25 = tpu.vector_load %arg5[%swap3A_23, %swap3A_24] {strides = array<i32>} : memref<10x16xf32, #tpu.memory_space<vmem>>, vector<1x16xf32>,
    %swap3A_26 = vector.shape_cast %swap3A_25 : vector<1x16xf32> to vector<16xf32>
    %swap3A_27 = vector.shape_cast %scan3A_9#6 : vector<16xf32> to vector<1x16xf32>
    tpu.vector_store %arg5[%swap3A_23, %swap3A_24], %swap3A_27 {strides = array<i32>} : memref<10x16xf32, #tpu.memory_space<vmem>>, vector<1x16xf32>,
    %swap3A_28 = arith.constant 6 : i32
    %swap3A_29 = arith.index_cast %swap3A_28 : i32 to index
    %swap3A_30 = arith.constant 0 : index
    %swap3A_31 = tpu.vector_load %arg5[%swap3A_29, %swap3A_30] {strides = array<i32>} : memref<10x16xf32, #tpu.memory_space<vmem>>, vector<1x16xf32>,
    %swap3A_32 = vector.shape_cast %swap3A_31 : vector<1x16xf32> to vector<16xf32>
    %swap3A_33 = vector.shape_cast %scan3A_9#1 : vector<16xf32> to vector<1x16xf32>
    tpu.vector_store %arg5[%swap3A_29, %swap3A_30], %swap3A_33 {strides = array<i32>} : memref<10x16xf32, #tpu.memory_space<vmem>>, vector<1x16xf32>,
    %swap3A_34 = arith.constant 2 : i32
    %swap3A_35 = arith.index_cast %swap3A_34 : i32 to index
    %swap3A_36 = arith.constant 0 : index
    %swap3A_37 = tpu.vector_load %arg5[%swap3A_35, %swap3A_36] {strides = array<i32>} : memref<10x16xf32, #tpu.memory_space<vmem>>, vector<1x16xf32>,
    %swap3A_38 = vector.shape_cast %swap3A_37 : vector<1x16xf32> to vector<16xf32>
    %swap3A_39 = vector.shape_cast %scan3A_9#7 : vector<16xf32> to vector<1x16xf32>
    tpu.vector_store %arg5[%swap3A_35, %swap3A_36], %swap3A_39 {strides = array<i32>} : memref<10x16xf32, #tpu.memory_space<vmem>>, vector<1x16xf32>,
    %swap3A_40 = arith.constant 7 : i32
    %swap3A_41 = arith.index_cast %swap3A_40 : i32 to index
    %swap3A_42 = arith.constant 0 : index
    %swap3A_43 = tpu.vector_load %arg5[%swap3A_41, %swap3A_42] {strides = array<i32>} : memref<10x16xf32, #tpu.memory_space<vmem>>, vector<1x16xf32>,
    %swap3A_44 = vector.shape_cast %swap3A_43 : vector<1x16xf32> to vector<16xf32>
    %swap3A_45 = vector.shape_cast %scan3A_9#2 : vector<16xf32> to vector<1x16xf32>
    tpu.vector_store %arg5[%swap3A_41, %swap3A_42], %swap3A_45 {strides = array<i32>} : memref<10x16xf32, #tpu.memory_space<vmem>>, vector<1x16xf32>,
    %swap3A_46 = arith.constant 3 : i32
    %swap3A_47 = arith.index_cast %swap3A_46 : i32 to index
    %swap3A_48 = arith.constant 0 : index
    %swap3A_49 = tpu.vector_load %arg5[%swap3A_47, %swap3A_48] {strides = array<i32>} : memref<10x16xf32, #tpu.memory_space<vmem>>, vector<1x16xf32>,
    %swap3A_50 = vector.shape_cast %swap3A_49 : vector<1x16xf32> to vector<16xf32>
    %swap3A_51 = vector.shape_cast %scan3A_9#8 : vector<16xf32> to vector<1x16xf32>
    tpu.vector_store %arg5[%swap3A_47, %swap3A_48], %swap3A_51 {strides = array<i32>} : memref<10x16xf32, #tpu.memory_space<vmem>>, vector<1x16xf32>,
    %swap3A_52 = arith.constant 8 : i32
    %swap3A_53 = arith.index_cast %swap3A_52 : i32 to index
    %swap3A_54 = arith.constant 0 : index
    %swap3A_55 = tpu.vector_load %arg5[%swap3A_53, %swap3A_54] {strides = array<i32>} : memref<10x16xf32, #tpu.memory_space<vmem>>, vector<1x16xf32>,
    %swap3A_56 = vector.shape_cast %swap3A_55 : vector<1x16xf32> to vector<16xf32>
    %swap3A_57 = vector.shape_cast %scan3A_9#3 : vector<16xf32> to vector<1x16xf32>
    tpu.vector_store %arg5[%swap3A_53, %swap3A_54], %swap3A_57 {strides = array<i32>} : memref<10x16xf32, #tpu.memory_space<vmem>>, vector<1x16xf32>,
    %swap3A_58 = arith.constant 4 : i32
    %swap3A_59 = arith.index_cast %swap3A_58 : i32 to index
    %swap3A_60 = arith.constant 0 : index
    %swap3A_61 = tpu.vector_load %arg5[%swap3A_59, %swap3A_60] {strides = array<i32>} : memref<10x16xf32, #tpu.memory_space<vmem>>, vector<1x16xf32>,
    %swap3A_62 = vector.shape_cast %swap3A_61 : vector<1x16xf32> to vector<16xf32>
    %swap3A_63 = vector.shape_cast %scan3A_9#9 : vector<16xf32> to vector<1x16xf32>
    tpu.vector_store %arg5[%swap3A_59, %swap3A_60], %swap3A_63 {strides = array<i32>} : memref<10x16xf32, #tpu.memory_space<vmem>>, vector<1x16xf32>,
    %swap3A_64 = arith.constant 9 : i32
    %swap3A_65 = arith.index_cast %swap3A_64 : i32 to index
    %swap3A_66 = arith.constant 0 : index
    %swap3A_67 = tpu.vector_load %arg5[%swap3A_65, %swap3A_66] {strides = array<i32>} : memref<10x16xf32, #tpu.memory_space<vmem>>, vector<1x16xf32>,
    %swap3A_68 = vector.shape_cast %swap3A_67 : vector<1x16xf32> to vector<16xf32>
    %swap3A_69 = vector.shape_cast %scan3A_9#4 : vector<16xf32> to vector<1x16xf32>
    tpu.vector_store %arg5[%swap3A_65, %swap3A_66], %swap3A_69 {strides = array<i32>} : memref<10x16xf32, #tpu.memory_space<vmem>>, vector<1x16xf32>,
    "tpu.region"() ({
      %run_scoped3A = tpu.sem_alloc : memref<!tpu.dma_semaphore, #tpu.memory_space<semaphore_mem>>
      %dma_start3A = arith.constant 0 : i32
      %dma_start3A_70 = arith.constant 0 : i32
      %dma_start3A_71 = tpu.memref_slice %arg3[%add3A, %dma_start3A, %dma_start3A_70] : memref<32x10x16xf32, #tpu.memory_space<hbm>> -> memref<1x10x16xf32, #tpu.memory_space<hbm>>
      %dma_start3A_72 = tpu.memref_squeeze %dma_start3A_71 : memref<1x10x16xf32, #tpu.memory_space<hbm>> -> memref<10x16xf32, #tpu.memory_space<hbm>>
      %dma_start3A_73 = arith.constant 0 : i32
      %dma_start3A_74 = arith.constant 0 : i32
      %dma_start3A_75 = tpu.memref_slice %arg3[%add3A, %dma_start3A_73, %dma_start3A_74] : memref<32x10x16xf32, #tpu.memory_space<hbm>> -> memref<1x10x16xf32, #tpu.memory_space<hbm>>
      %dma_start3A_76 = tpu.memref_squeeze %dma_start3A_75 : memref<1x10x16xf32, #tpu.memory_space<hbm>> -> memref<10x16xf32, #tpu.memory_space<hbm>>
      tpu.enqueue_dma source(%arg5 : memref<10x16xf32, #tpu.memory_space<vmem>>) target(%dma_start3A_76 : memref<10x16xf32, #tpu.memory_space<hbm>>) target_semaphore(%run_scoped3A : memref<!tpu.dma_semaphore, #tpu.memory_space<semaphore_mem>>)
      %dma_wait3A = arith.constant 0 : i32
      %dma_wait3A_77 = arith.constant 0 : i32
      %dma_wait3A_78 = tpu.memref_slice %arg3[%add3A, %dma_wait3A, %dma_wait3A_77] : memref<32x10x16xf32, #tpu.memory_space<hbm>> -> memref<1x10x16xf32, #tpu.memory_space<hbm>>
      %dma_wait3A_79 = tpu.memref_squeeze %dma_wait3A_78 : memref<1x10x16xf32, #tpu.memory_space<hbm>> -> memref<10x16xf32, #tpu.memory_space<hbm>>
      %dma_wait3A_80 = arith.constant 0 : i32
      %dma_wait3A_81 = arith.constant 0 : i32
      %dma_wait3A_82 = tpu.memref_slice %arg3[%add3A, %dma_wait3A_80, %dma_wait3A_81] : memref<32x10x16xf32, #tpu.memory_space<hbm>> -> memref<1x10x16xf32, #tpu.memory_space<hbm>>
      %dma_wait3A_83 = tpu.memref_squeeze %dma_wait3A_82 : memref<1x10x16xf32, #tpu.memory_space<hbm>> -> memref<10x16xf32, #tpu.memory_space<hbm>>
      tpu.wait_dma2 semaphore(%run_scoped3A : memref<!tpu.dma_semaphore, #tpu.memory_space<semaphore_mem>>) src(%arg5 : memref<10x16xf32, #tpu.memory_space<vmem>>) dst(%dma_wait3A_83 : memref<10x16xf32, #tpu.memory_space<hbm>>)
      tpu.yield
    }) : () -> ()
    return
  }
}

module attributes {stable_mosaic.version = 14 : i64} {
  func.func @_matvec_body(%arg0: i32, %arg1: memref<1024x2048xf32, #tpu.memory_space<vmem>>, %arg2: memref<2048x1xf32, #tpu.memory_space<vmem>>, %arg3: memref<1x1x1024xf32, #tpu.memory_space<vmem>>) attributes {dimension_semantics = [#tpu.dimension_semantics<arbitrary>], iteration_bounds = array<i64: 64>, scalar_prefetch = 0 : i64, scratch_operands = 0 : i64, tpu.core_type = #tpu.core_type<tc>, window_params = [{transform_indices = @transform_0, window_bounds = array<i64: 1024, 2048>}, {pipeline_mode = #tpu.pipeline_mode<synchronous>, transform_indices = @transform_1, window_bounds = array<i64: 2048, 1>}, {transform_indices = @transform_2, window_bounds = array<i64: 1, 1, 1024>}]} {
    %get3A = arith.constant 0 : index
    %get3A_0 = arith.constant 0 : index
    %get3A_1 = vector.load %arg2[%get3A, %get3A_0] : memref<2048x1xf32, #tpu.memory_space<vmem>>, vector<2048x1xf32>
    %get3A_2 = arith.constant 0 : index
    %get3A_3 = arith.constant 0 : index
    %get3A_4 = vector.load %arg1[%get3A_2, %get3A_3] : memref<1024x2048xf32, #tpu.memory_space<vmem>>, vector<1024x2048xf32>
    %dot_general3A = arith.constant dense<0.000000e+00> : vector<1x1024xf32>
    %dot_general3A_5 = tpu.matmul %get3A_1, %get3A_4, %dot_general3A {dimension_numbers = #tpu.dot_dimension_numbers<[0], [1], [1], [0], [0, 1, 1, 0], [], []>, transpose_lhs_hint = false} : vector<2048x1xf32>, vector<1024x2048xf32>, vector<1x1024xf32> -> vector<1x1024xf32>
    %swap3A = arith.constant 0 : index
    %swap3A_6 = arith.constant 0 : index
    %swap3A_7 = arith.constant 0 : index
    %swap3A_8 = vector.load %arg3[%swap3A, %swap3A_6, %swap3A_7] : memref<1x1x1024xf32, #tpu.memory_space<vmem>>, vector<1x1x1024xf32>
    %swap3A_9 = vector.shape_cast %swap3A_8 : vector<1x1x1024xf32> to vector<1x1024xf32>
    %swap3A_10 = vector.shape_cast %dot_general3A_5 : vector<1x1024xf32> to vector<1x1x1024xf32>
    tpu.vector_store %arg3[%swap3A, %swap3A_6, %swap3A_7], %swap3A_10 {strides = array<i32>} : memref<1x1x1024xf32, #tpu.memory_space<vmem>>, vector<1x1x1024xf32>,
    return
  }
  func.func @transform_0(%arg0: i32) -> (i32, i32) {
    %c0_i32 = arith.constant 0 : i32
    %c0_i32_0 = arith.constant 0 : i32
    return %arg0, %c0_i32 : i32, i32
  }
  func.func @transform_1(%arg0: i32) -> (i32, i32) {
    %c0_i32 = arith.constant 0 : i32
    %c0_i32_0 = arith.constant 0 : i32
    %c0_i32_1 = arith.constant 0 : i32
    return %c0_i32, %c0_i32_0 : i32, i32
  }
  func.func @transform_2(%arg0: i32) -> (i32, i32, i32) {
    %c0_i32 = arith.constant 0 : i32
    %c0_i32_0 = arith.constant 0 : i32
    %c0_i32_1 = arith.constant 0 : i32
    return %arg0, %c0_i32, %c0_i32_0 : i32, i32, i32
  }
}

module attributes {stable_mosaic.version = 14 : i64} {
  func.func @_mlp_body(%arg0: memref<8x320xf32, #tpu.memory_space<vmem>>, %arg1: memref<8x320xf32, #tpu.memory_space<vmem>>, %arg2: memref<10x200xf32, #tpu.memory_space<vmem>>, %arg3: memref<1x200xf32, #tpu.memory_space<vmem>>, %arg4: memref<200x100xf32, #tpu.memory_space<vmem>>, %arg5: memref<1x100xf32, #tpu.memory_space<vmem>>, %arg6: memref<100x1xf32, #tpu.memory_space<vmem>>, %arg7: memref<1x1xf32, #tpu.memory_space<vmem>>, %arg8: memref<8x1xf32, #tpu.memory_space<vmem>>, %arg9: memref<8x1xf32, #tpu.memory_space<vmem>>) attributes {dimension_semantics = [], scalar_prefetch = 0 : i64, scratch_operands = 0 : i64, tpu.core_type = #tpu.core_type<tc>} {
    %iota3A = tpu.iota {dimensions = array<i32: 1>} : vector<8x320xi32>
    %get3A = arith.constant 0 : index
    %get3A_0 = arith.constant 0 : index
    %get3A_1 = vector.load %arg0[%get3A, %get3A_0] : memref<8x320xf32, #tpu.memory_space<vmem>>, vector<8x320xf32>
    %reduce_min3A = arith.constant dense<0x7F800000> : vector<8xf32>
    %reduce_min3A_2 = vector.multi_reduction <minimumf>, %get3A_1, %reduce_min3A [1] : vector<8x320xf32> to vector<8xf32>
    %broadcast_in_dim3A = vector.shape_cast %reduce_min3A_2 : vector<8xf32> to vector<8x1xf32>
    %eq3A = vector.broadcast %broadcast_in_dim3A : vector<8x1xf32> to vector<8x320xf32>
    %eq3A_3 = arith.cmpf oeq, %get3A_1, %eq3A : vector<8x320xf32>
    %jit3A = arith.constant 320 : i32
    %broadcast_in_dim3A_4 = vector.broadcast %jit3A : i32 to vector<8x320xi32>
    %select_n3A = arith.select %eq3A_3, %iota3A, %broadcast_in_dim3A_4 : vector<8x320xi1>, vector<8x320xi32>
    %reduce_min3A_5 = arith.constant dense<2147483647> : vector<8xi32>
    %reduce_min3A_6 = vector.multi_reduction <minsi>, %select_n3A, %reduce_min3A_5 [1] : vector<8x320xi32> to vector<8xi32>
    %broadcast_in_dim3A_7 = vector.shape_cast %reduce_min3A_6 : vector<8xi32> to vector<8x1xi32>
    %eq3A_8 = vector.broadcast %broadcast_in_dim3A_7 : vector<8x1xi32> to vector<8x320xi32>
    %eq3A_9 = arith.cmpi eq, %iota3A, %eq3A_8 : vector<8x320xi32>
    %jit3A_10 = arith.constant 0x7F800000 : f32
    %broadcast_in_dim3A_11 = vector.broadcast %jit3A_10 : f32 to vector<8x320xf32>
    %select_n3A_12 = arith.select %eq3A_9, %broadcast_in_dim3A_11, %get3A_1 : vector<8x320xi1>, vector<8x320xf32>
    %reduce_min3A_13 = arith.constant dense<0x7F800000> : vector<8xf32>
    %reduce_min3A_14 = vector.multi_reduction <minimumf>, %select_n3A_12, %reduce_min3A_13 [1] : vector<8x320xf32> to vector<8xf32>
    %broadcast_in_dim3A_15 = vector.shape_cast %reduce_min3A_14 : vector<8xf32> to vector<8x1xf32>
    %eq3A_16 = vector.broadcast %broadcast_in_dim3A_15 : vector<8x1xf32> to vector<8x320xf32>
    %eq3A_17 = arith.cmpf oeq, %select_n3A_12, %eq3A_16 : vector<8x320xf32>
    %jit3A_18 = arith.constant 320 : i32
    %broadcast_in_dim3A_19 = vector.broadcast %jit3A_18 : i32 to vector<8x320xi32>
    %select_n3A_20 = arith.select %eq3A_17, %iota3A, %broadcast_in_dim3A_19 : vector<8x320xi1>, vector<8x320xi32>
    %reduce_min3A_21 = arith.constant dense<2147483647> : vector<8xi32>
    %reduce_min3A_22 = vector.multi_reduction <minsi>, %select_n3A_20, %reduce_min3A_21 [1] : vector<8x320xi32> to vector<8xi32>
    %broadcast_in_dim3A_23 = vector.shape_cast %reduce_min3A_22 : vector<8xi32> to vector<8x1xi32>
    %eq3A_24 = vector.broadcast %broadcast_in_dim3A_23 : vector<8x1xi32> to vector<8x320xi32>
    %eq3A_25 = arith.cmpi eq, %iota3A, %eq3A_24 : vector<8x320xi32>
    %jit3A_26 = arith.constant 0x7F800000 : f32
    %broadcast_in_dim3A_27 = vector.broadcast %jit3A_26 : f32 to vector<8x320xf32>
    %select_n3A_28 = arith.select %eq3A_25, %broadcast_in_dim3A_27, %select_n3A_12 : vector<8x320xi1>, vector<8x320xf32>
    %reduce_min3A_29 = arith.constant dense<0x7F800000> : vector<8xf32>
    %reduce_min3A_30 = vector.multi_reduction <minimumf>, %select_n3A_28, %reduce_min3A_29 [1] : vector<8x320xf32> to vector<8xf32>
    %broadcast_in_dim3A_31 = vector.shape_cast %reduce_min3A_30 : vector<8xf32> to vector<8x1xf32>
    %eq3A_32 = vector.broadcast %broadcast_in_dim3A_31 : vector<8x1xf32> to vector<8x320xf32>
    %eq3A_33 = arith.cmpf oeq, %select_n3A_28, %eq3A_32 : vector<8x320xf32>
    %jit3A_34 = arith.constant 320 : i32
    %broadcast_in_dim3A_35 = vector.broadcast %jit3A_34 : i32 to vector<8x320xi32>
    %select_n3A_36 = arith.select %eq3A_33, %iota3A, %broadcast_in_dim3A_35 : vector<8x320xi1>, vector<8x320xi32>
    %reduce_min3A_37 = arith.constant dense<2147483647> : vector<8xi32>
    %reduce_min3A_38 = vector.multi_reduction <minsi>, %select_n3A_36, %reduce_min3A_37 [1] : vector<8x320xi32> to vector<8xi32>
    %broadcast_in_dim3A_39 = vector.shape_cast %reduce_min3A_38 : vector<8xi32> to vector<8x1xi32>
    %eq3A_40 = vector.broadcast %broadcast_in_dim3A_39 : vector<8x1xi32> to vector<8x320xi32>
    %eq3A_41 = arith.cmpi eq, %iota3A, %eq3A_40 : vector<8x320xi32>
    %jit3A_42 = arith.constant 0x7F800000 : f32
    %broadcast_in_dim3A_43 = vector.broadcast %jit3A_42 : f32 to vector<8x320xf32>
    %select_n3A_44 = arith.select %eq3A_41, %broadcast_in_dim3A_43, %select_n3A_28 : vector<8x320xi1>, vector<8x320xf32>
    %reduce_min3A_45 = arith.constant dense<0x7F800000> : vector<8xf32>
    %reduce_min3A_46 = vector.multi_reduction <minimumf>, %select_n3A_44, %reduce_min3A_45 [1] : vector<8x320xf32> to vector<8xf32>
    %broadcast_in_dim3A_47 = vector.shape_cast %reduce_min3A_46 : vector<8xf32> to vector<8x1xf32>
    %eq3A_48 = vector.broadcast %broadcast_in_dim3A_47 : vector<8x1xf32> to vector<8x320xf32>
    %eq3A_49 = arith.cmpf oeq, %select_n3A_44, %eq3A_48 : vector<8x320xf32>
    %jit3A_50 = arith.constant 320 : i32
    %broadcast_in_dim3A_51 = vector.broadcast %jit3A_50 : i32 to vector<8x320xi32>
    %select_n3A_52 = arith.select %eq3A_49, %iota3A, %broadcast_in_dim3A_51 : vector<8x320xi1>, vector<8x320xi32>
    %reduce_min3A_53 = arith.constant dense<2147483647> : vector<8xi32>
    %reduce_min3A_54 = vector.multi_reduction <minsi>, %select_n3A_52, %reduce_min3A_53 [1] : vector<8x320xi32> to vector<8xi32>
    %broadcast_in_dim3A_55 = vector.shape_cast %reduce_min3A_54 : vector<8xi32> to vector<8x1xi32>
    %eq3A_56 = vector.broadcast %broadcast_in_dim3A_55 : vector<8x1xi32> to vector<8x320xi32>
    %eq3A_57 = arith.cmpi eq, %iota3A, %eq3A_56 : vector<8x320xi32>
    %jit3A_58 = arith.constant 0x7F800000 : f32
    %broadcast_in_dim3A_59 = vector.broadcast %jit3A_58 : f32 to vector<8x320xf32>
    %select_n3A_60 = arith.select %eq3A_57, %broadcast_in_dim3A_59, %select_n3A_44 : vector<8x320xi1>, vector<8x320xf32>
    %reduce_min3A_61 = arith.constant dense<0x7F800000> : vector<8xf32>
    %reduce_min3A_62 = vector.multi_reduction <minimumf>, %select_n3A_60, %reduce_min3A_61 [1] : vector<8x320xf32> to vector<8xf32>
    %broadcast_in_dim3A_63 = vector.shape_cast %reduce_min3A_62 : vector<8xf32> to vector<8x1xf32>
    %get3A_64 = arith.constant 0 : index
    %get3A_65 = arith.constant 0 : index
    %get3A_66 = vector.load %arg1[%get3A_64, %get3A_65] : memref<8x320xf32, #tpu.memory_space<vmem>>, vector<8x320xf32>
    %reduce_max3A = arith.constant dense<0xFF800000> : vector<8xf32>
    %reduce_max3A_67 = vector.multi_reduction <maximumf>, %get3A_66, %reduce_max3A [1] : vector<8x320xf32> to vector<8xf32>
    %broadcast_in_dim3A_68 = vector.shape_cast %reduce_max3A_67 : vector<8xf32> to vector<8x1xf32>
    %eq3A_69 = vector.broadcast %broadcast_in_dim3A_68 : vector<8x1xf32> to vector<8x320xf32>
    %eq3A_70 = arith.cmpf oeq, %get3A_66, %eq3A_69 : vector<8x320xf32>
    %jit3A_71 = arith.constant 320 : i32
    %broadcast_in_dim3A_72 = vector.broadcast %jit3A_71 : i32 to vector<8x320xi32>
    %select_n3A_73 = arith.select %eq3A_70, %iota3A, %broadcast_in_dim3A_72 : vector<8x320xi1>, vector<8x320xi32>
    %reduce_min3A_74 = arith.constant dense<2147483647> : vector<8xi32>
    %reduce_min3A_75 = vector.multi_reduction <minsi>, %select_n3A_73, %reduce_min3A_74 [1] : vector<8x320xi32> to vector<8xi32>
    %broadcast_in_dim3A_76 = vector.shape_cast %reduce_min3A_75 : vector<8xi32> to vector<8x1xi32>
    %eq3A_77 = vector.broadcast %broadcast_in_dim3A_76 : vector<8x1xi32> to vector<8x320xi32>
    %eq3A_78 = arith.cmpi eq, %iota3A, %eq3A_77 : vector<8x320xi32>
    %jit3A_79 = arith.constant 0xFF800000 : f32
    %broadcast_in_dim3A_80 = vector.broadcast %jit3A_79 : f32 to vector<8x320xf32>
    %select_n3A_81 = arith.select %eq3A_78, %broadcast_in_dim3A_80, %get3A_66 : vector<8x320xi1>, vector<8x320xf32>
    %reduce_max3A_82 = arith.constant dense<0xFF800000> : vector<8xf32>
    %reduce_max3A_83 = vector.multi_reduction <maximumf>, %select_n3A_81, %reduce_max3A_82 [1] : vector<8x320xf32> to vector<8xf32>
    %broadcast_in_dim3A_84 = vector.shape_cast %reduce_max3A_83 : vector<8xf32> to vector<8x1xf32>
    %eq3A_85 = vector.broadcast %broadcast_in_dim3A_84 : vector<8x1xf32> to vector<8x320xf32>
    %eq3A_86 = arith.cmpf oeq, %select_n3A_81, %eq3A_85 : vector<8x320xf32>
    %jit3A_87 = arith.constant 320 : i32
    %broadcast_in_dim3A_88 = vector.broadcast %jit3A_87 : i32 to vector<8x320xi32>
    %select_n3A_89 = arith.select %eq3A_86, %iota3A, %broadcast_in_dim3A_88 : vector<8x320xi1>, vector<8x320xi32>
    %reduce_min3A_90 = arith.constant dense<2147483647> : vector<8xi32>
    %reduce_min3A_91 = vector.multi_reduction <minsi>, %select_n3A_89, %reduce_min3A_90 [1] : vector<8x320xi32> to vector<8xi32>
    %broadcast_in_dim3A_92 = vector.shape_cast %reduce_min3A_91 : vector<8xi32> to vector<8x1xi32>
    %eq3A_93 = vector.broadcast %broadcast_in_dim3A_92 : vector<8x1xi32> to vector<8x320xi32>
    %eq3A_94 = arith.cmpi eq, %iota3A, %eq3A_93 : vector<8x320xi32>
    %jit3A_95 = arith.constant 0xFF800000 : f32
    %broadcast_in_dim3A_96 = vector.broadcast %jit3A_95 : f32 to vector<8x320xf32>
    %select_n3A_97 = arith.select %eq3A_94, %broadcast_in_dim3A_96, %select_n3A_81 : vector<8x320xi1>, vector<8x320xf32>
    %reduce_max3A_98 = arith.constant dense<0xFF800000> : vector<8xf32>
    %reduce_max3A_99 = vector.multi_reduction <maximumf>, %select_n3A_97, %reduce_max3A_98 [1] : vector<8x320xf32> to vector<8xf32>
    %broadcast_in_dim3A_100 = vector.shape_cast %reduce_max3A_99 : vector<8xf32> to vector<8x1xf32>
    %eq3A_101 = vector.broadcast %broadcast_in_dim3A_100 : vector<8x1xf32> to vector<8x320xf32>
    %eq3A_102 = arith.cmpf oeq, %select_n3A_97, %eq3A_101 : vector<8x320xf32>
    %jit3A_103 = arith.constant 320 : i32
    %broadcast_in_dim3A_104 = vector.broadcast %jit3A_103 : i32 to vector<8x320xi32>
    %select_n3A_105 = arith.select %eq3A_102, %iota3A, %broadcast_in_dim3A_104 : vector<8x320xi1>, vector<8x320xi32>
    %reduce_min3A_106 = arith.constant dense<2147483647> : vector<8xi32>
    %reduce_min3A_107 = vector.multi_reduction <minsi>, %select_n3A_105, %reduce_min3A_106 [1] : vector<8x320xi32> to vector<8xi32>
    %broadcast_in_dim3A_108 = vector.shape_cast %reduce_min3A_107 : vector<8xi32> to vector<8x1xi32>
    %eq3A_109 = vector.broadcast %broadcast_in_dim3A_108 : vector<8x1xi32> to vector<8x320xi32>
    %eq3A_110 = arith.cmpi eq, %iota3A, %eq3A_109 : vector<8x320xi32>
    %jit3A_111 = arith.constant 0xFF800000 : f32
    %broadcast_in_dim3A_112 = vector.broadcast %jit3A_111 : f32 to vector<8x320xf32>
    %select_n3A_113 = arith.select %eq3A_110, %broadcast_in_dim3A_112, %select_n3A_97 : vector<8x320xi1>, vector<8x320xf32>
    %reduce_max3A_114 = arith.constant dense<0xFF800000> : vector<8xf32>
    %reduce_max3A_115 = vector.multi_reduction <maximumf>, %select_n3A_113, %reduce_max3A_114 [1] : vector<8x320xf32> to vector<8xf32>
    %broadcast_in_dim3A_116 = vector.shape_cast %reduce_max3A_115 : vector<8xf32> to vector<8x1xf32>
    %eq3A_117 = vector.broadcast %broadcast_in_dim3A_116 : vector<8x1xf32> to vector<8x320xf32>
    %eq3A_118 = arith.cmpf oeq, %select_n3A_113, %eq3A_117 : vector<8x320xf32>
    %jit3A_119 = arith.constant 320 : i32
    %broadcast_in_dim3A_120 = vector.broadcast %jit3A_119 : i32 to vector<8x320xi32>
    %select_n3A_121 = arith.select %eq3A_118, %iota3A, %broadcast_in_dim3A_120 : vector<8x320xi1>, vector<8x320xi32>
    %reduce_min3A_122 = arith.constant dense<2147483647> : vector<8xi32>
    %reduce_min3A_123 = vector.multi_reduction <minsi>, %select_n3A_121, %reduce_min3A_122 [1] : vector<8x320xi32> to vector<8xi32>
    %broadcast_in_dim3A_124 = vector.shape_cast %reduce_min3A_123 : vector<8xi32> to vector<8x1xi32>
    %eq3A_125 = vector.broadcast %broadcast_in_dim3A_124 : vector<8x1xi32> to vector<8x320xi32>
    %eq3A_126 = arith.cmpi eq, %iota3A, %eq3A_125 : vector<8x320xi32>
    %jit3A_127 = arith.constant 0xFF800000 : f32
    %broadcast_in_dim3A_128 = vector.broadcast %jit3A_127 : f32 to vector<8x320xf32>
    %select_n3A_129 = arith.select %eq3A_126, %broadcast_in_dim3A_128, %select_n3A_113 : vector<8x320xi1>, vector<8x320xf32>
    %reduce_max3A_130 = arith.constant dense<0xFF800000> : vector<8xf32>
    %reduce_max3A_131 = vector.multi_reduction <maximumf>, %select_n3A_129, %reduce_max3A_130 [1] : vector<8x320xf32> to vector<8xf32>
    %broadcast_in_dim3A_132 = vector.shape_cast %reduce_max3A_131 : vector<8xf32> to vector<8x1xf32>
    %concatenate3A = tpu.concatenate %broadcast_in_dim3A, %broadcast_in_dim3A_15, %broadcast_in_dim3A_31, %broadcast_in_dim3A_47, %broadcast_in_dim3A_63, %broadcast_in_dim3A_132, %broadcast_in_dim3A_116, %broadcast_in_dim3A_100, %broadcast_in_dim3A_84, %broadcast_in_dim3A_68 in 1 : vector<8x1xf32>, vector<8x1xf32>, vector<8x1xf32>, vector<8x1xf32>, vector<8x1xf32>, vector<8x1xf32>, vector<8x1xf32>, vector<8x1xf32>, vector<8x1xf32>, vector<8x1xf32> -> vector<8x10xf32>
    %get3A_133 = arith.constant 0 : index
    %get3A_134 = arith.constant 0 : index
    %get3A_135 = vector.load %arg2[%get3A_133, %get3A_134] : memref<10x200xf32, #tpu.memory_space<vmem>>, vector<10x200xf32>
    %dot_general3A = arith.constant dense<0.000000e+00> : vector<8x200xf32>
    %dot_general3A_136 = tpu.matmul %concatenate3A, %get3A_135, %dot_general3A {dimension_numbers = #tpu.dot_dimension_numbers<[1], [0], [0], [1], [0, 0, 1, 1], [], []>, transpose_lhs_hint = false} : vector<8x10xf32>, vector<10x200xf32>, vector<8x200xf32> -> vector<8x200xf32>
    %get3A_137 = arith.constant 0 : index
    %get3A_138 = arith.constant 0 : index
    %get3A_139 = vector.load %arg3[%get3A_137, %get3A_138] : memref<1x200xf32, #tpu.memory_space<vmem>>, vector<1x200xf32>
    %add3A = vector.broadcast %get3A_139 : vector<1x200xf32> to vector<8x200xf32>
    %add3A_140 = arith.addf %dot_general3A_136, %add3A : vector<8x200xf32>
    %neg3A = arith.constant 0.000000e+00 : f32
    %neg3A_141 = vector.broadcast %neg3A : f32 to vector<8x200xf32>
    %neg3A_142 = arith.subf %neg3A_141, %add3A_140 : vector<8x200xf32>
    %exp3A = math.exp %neg3A_142 : vector<8x200xf32>
    %add3A_143 = arith.constant 1.000000e+00 : f32
    %add3A_144 = vector.broadcast %add3A_143 : f32 to vector<8x200xf32>
    %add3A_145 = arith.addf %add3A_144, %exp3A : vector<8x200xf32>
    %div3A = arith.constant 1.000000e+00 : f32
    %div3A_146 = vector.broadcast %div3A : f32 to vector<8x200xf32>
    %div3A_147 = arith.divf %div3A_146, %add3A_145 : vector<8x200xf32>
    %get3A_148 = arith.constant 0 : index
    %get3A_149 = arith.constant 0 : index
    %get3A_150 = vector.load %arg4[%get3A_148, %get3A_149] : memref<200x100xf32, #tpu.memory_space<vmem>>, vector<200x100xf32>
    %dot_general3A_151 = arith.constant dense<0.000000e+00> : vector<8x100xf32>
    %dot_general3A_152 = tpu.matmul %div3A_147, %get3A_150, %dot_general3A_151 {dimension_numbers = #tpu.dot_dimension_numbers<[1], [0], [0], [1], [0, 0, 1, 1], [], []>, transpose_lhs_hint = false} : vector<8x200xf32>, vector<200x100xf32>, vector<8x100xf32> -> vector<8x100xf32>
    %get3A_153 = arith.constant 0 : index
    %get3A_154 = arith.constant 0 : index
    %get3A_155 = vector.load %arg5[%get3A_153, %get3A_154] : memref<1x100xf32, #tpu.memory_space<vmem>>, vector<1x100xf32>
    %add3A_156 = vector.broadcast %get3A_155 : vector<1x100xf32> to vector<8x100xf32>
    %add3A_157 = arith.addf %dot_general3A_152, %add3A_156 : vector<8x100xf32>
    %neg3A_158 = arith.constant 0.000000e+00 : f32
    %neg3A_159 = vector.broadcast %neg3A_158 : f32 to vector<8x100xf32>
    %neg3A_160 = arith.subf %neg3A_159, %add3A_157 : vector<8x100xf32>
    %exp3A_161 = math.exp %neg3A_160 : vector<8x100xf32>
    %add3A_162 = arith.constant 1.000000e+00 : f32
    %add3A_163 = vector.broadcast %add3A_162 : f32 to vector<8x100xf32>
    %add3A_164 = arith.addf %add3A_163, %exp3A_161 : vector<8x100xf32>
    %div3A_165 = arith.constant 1.000000e+00 : f32
    %div3A_166 = vector.broadcast %div3A_165 : f32 to vector<8x100xf32>
    %div3A_167 = arith.divf %div3A_166, %add3A_164 : vector<8x100xf32>
    %get3A_168 = arith.constant 0 : index
    %get3A_169 = arith.constant 0 : index
    %get3A_170 = vector.load %arg6[%get3A_168, %get3A_169] : memref<100x1xf32, #tpu.memory_space<vmem>>, vector<100x1xf32>
    %dot_general3A_171 = arith.constant dense<0.000000e+00> : vector<8x1xf32>
    %dot_general3A_172 = tpu.matmul %div3A_167, %get3A_170, %dot_general3A_171 {dimension_numbers = #tpu.dot_dimension_numbers<[1], [0], [0], [1], [0, 0, 1, 1], [], []>, transpose_lhs_hint = false} : vector<8x100xf32>, vector<100x1xf32>, vector<8x1xf32> -> vector<8x1xf32>
    %get3A_173 = arith.constant 0 : index
    %get3A_174 = arith.constant 0 : index
    %get3A_175 = vector.load %arg7[%get3A_173, %get3A_174] : memref<1x1xf32, #tpu.memory_space<vmem>>, vector<1x1xf32>
    %add3A_176 = vector.broadcast %get3A_175 : vector<1x1xf32> to vector<8x1xf32>
    %add3A_177 = arith.addf %dot_general3A_172, %add3A_176 : vector<8x1xf32>
    %swap3A = arith.constant 0 : index
    %swap3A_178 = arith.constant 0 : index
    %swap3A_179 = vector.load %arg8[%swap3A, %swap3A_178] : memref<8x1xf32, #tpu.memory_space<vmem>>, vector<8x1xf32>
    tpu.vector_store %arg8[%swap3A, %swap3A_178], %add3A_177 {strides = array<i32>} : memref<8x1xf32, #tpu.memory_space<vmem>>, vector<8x1xf32>,
    %neg3A_180 = arith.constant 0.000000e+00 : f32
    %neg3A_181 = vector.broadcast %neg3A_180 : f32 to vector<8x1xf32>
    %neg3A_182 = arith.subf %neg3A_181, %add3A_177 : vector<8x1xf32>
    %exp3A_183 = math.exp %neg3A_182 : vector<8x1xf32>
    %add3A_184 = arith.constant 1.000000e+00 : f32
    %add3A_185 = vector.broadcast %add3A_184 : f32 to vector<8x1xf32>
    %add3A_186 = arith.addf %add3A_185, %exp3A_183 : vector<8x1xf32>
    %div3A_187 = arith.constant 1.000000e+00 : f32
    %div3A_188 = vector.broadcast %div3A_187 : f32 to vector<8x1xf32>
    %div3A_189 = arith.divf %div3A_188, %add3A_186 : vector<8x1xf32>
    %swap3A_190 = arith.constant 0 : index
    %swap3A_191 = arith.constant 0 : index
    %swap3A_192 = vector.load %arg9[%swap3A_190, %swap3A_191] : memref<8x1xf32, #tpu.memory_space<vmem>>, vector<8x1xf32>
    tpu.vector_store %arg9[%swap3A_190, %swap3A_191], %div3A_189 {strides = array<i32>} : memref<8x1xf32, #tpu.memory_space<vmem>>, vector<8x1xf32>,
    return
  }
}

</mosaic_0001>

<sc_bundles>
// kernel: kernel.5.cloned.1.call-start
scs
__scs_entry_jumppad:
0x0: {  	(pc) =	sbr.rel $0x88, $3  }
0x1: {  	(tag) =	ssettag $0x0;
	lr =	simm.s32 $0x1  }
0x2: {  	[smem:$0x3F99] =	sst lr;
	_ =	strace $0xD0000000  }
0x3: {  	_ = 	snop  }
0x4: {  	_ = 	snop  }
0x5: {  	_ = 	snop  }
0x6: {  	_ = 	snop  }
0x7: {  	_ = 	snop  }
__scs_overlays_trampoline_lowered:
0x8: {  	[smem:$0x3FA8] =	sst s0  }
0x9: {  	[smem:$0x3FA9] =	sst s1  }
0xa: {  	[smem:$0x3FAA] =	sst s2  }
0xb: {  	[smem:$0x3FAB] =	sst s3  }
0xc: {  	[smem:$0x3FAC] =	sst s4  }
0xd: {  	[smem:$0x3FAD] =	sst s5  }
0xe: {  	[smem:$0x3FAE] =	sst s6  }
0xf: {  	[smem:$0x3FAF] =	sst s7  }
0x10: {  	[smem:$0x3FB0] =	sst s8  }
0x11: {  	[smem:$0x3FB1] =	sst s9;
	s0 =	simm.s32 @!p0 $0x0  }
0x12: {  	s1 =	sld [smem:$0x3F97];
	s0 =	simm.s32 @p0 $0x1  }
0x13: {  	[smem:$0x3FB2] =	sst s0;
	s0 =	simm.s32 @!p1 $0x0  }
0x14: {  	s2 =	sld [smem:$0x3F96];
	s0 =	simm.s32 @p1 $0x1  }
0x15: {  	[smem:$0x3FB3] =	sst s0;
	s0 =	simm.s32 @!p2 $0x0  }
0x16: {  	s3 =	sld [smem:$0x3FDB];
	s0 =	simm.s32 @p2 $0x1  }
0x17: {  	s4 =	simm.s32 $0x1BF5;
	[smem:$0x3FB5] =	sst s0  }
0x18: {  	s0 =	sld [smem:$0x3F98];
	_ =	swait.ge [sflag:s4], $0x0  }
0x19: {  	s7 =	sld [smem:$0x3F99]  }
0x1a: {  	s8 =	sadd.s32 $0xFFFFE003, lr  }
0x1b: {  	s9 =	sadd.s32 $0xFFFFFEF7, lr;
	s5 =	simm.s32 $0xFFFFFFFF;
	p2 =	slt.u32 s8, $0xFFFFF086  }
0x1c: {  	p1 =	slt.u32 s9, $0xF7A;
	s5 =	simm.s32 @!p2 $0x0  }
0x1d: {  	s5 =	simm.s32 @p1 $0x1;
	p0 =	seq.s32 s7, s2  }
0x1e: {  	s7 =	smul.u32 @!p0 $0xF7A, s2;
	p2 =	seq.s32 @!p0 s5, $0x0  }
0x1f: {  	s9 =	smul.u32 $0xF7A, s1;
	s8 =	simm.s32 @!p0 $0x1BF5;
	p2 =	por !p2, p0  }
0x20: {  	[sflag:s8] =	ssyncset.s32 @!p0 $0xFFFFF086;
	s6 =	sadd.s32 @!p0 s3, s7;
	s7 =	simm.s32 @!p0 $0x108  }
0x21: {  	s3 =	sadd.s32 s3, s9;
	s6 =	sadd.s32 @!p0 $0x88, s6;
	s7 =	simm.s32 @p2 $0x1082  }
0x22: {  	[simem:s7], [sflag:s8] =	dma.local @!p0 [hbm:s6], $0xF7A  }
0x23: {  	s9 =	sor.u32 $0xD0000000, s2;
	s6 =	simm.s32 $0x108;
	_ =	swait.ge @!p0 [sflag:s8], $0x0  }
0x24: {  	s3 =	sadd.s32 $0x88, s3;
	s6 =	simm.s32 @!p1 $0x1082;
	[sflag:s4] =	ssyncset.s32 $0xFFFFF086  }
0x25: {  	[simem:s6], [sflag:s4] =	dma.local [hbm:s3], $0xF7A  }
0x26: {  	[smem:$0x3F99] =	sst s1;
	(tag) =	ssettag s2;
	_ =	strace s9  }
0x27: {  	s1 =	sld [smem:$0x3FA9]  }
0x28: {  	s2 =	sld [smem:$0x3FAA]  }
0x29: {  	s4 =	sld [smem:$0x3FAC]  }
0x2a: {  	p0 =	seq.s32 s5, $0x0;
	s5 =	sld [smem:$0x3FAD]  }
0x2b: {  	s6 =	sld [smem:$0x3FAE]  }
0x2c: {  	s7 =	sld [smem:$0x3FAF]  }
0x2d: {  	s3 =	simm.s32 $0x108;
	s8 =	sld [smem:$0x3FB0]  }
0x2e: {  	s3 =	simm.s32 @!p0 $0x1082;
	s9 =	sld [smem:$0x3FB1]  }
0x2f: {  	lr =	sadd.s32 s0, s3;
	s0 =	sld [smem:$0x3FA8]  }
0x30: {  	s3 =	sld [smem:$0x3FAB]  }
0x31: {  	[smem:$0x3FB4] =	sst s10  }
0x32: {  	s10 =	sld [smem:$0x3FB2];
	_ =	sdelay $0x3  }
0x33: {  	p0 =	seq.s32 s10, $0x1;
	s10 =	sld [smem:$0x3FB4];
	_ =	sdelay $0x3  }
0x34: {  	[smem:$0x3FB4] =	sst s10  }
0x35: {  	s10 =	sld [smem:$0x3FB3];
	_ =	sdelay $0x3  }
0x36: {  	p1 =	seq.s32 s10, $0x1;
	s10 =	sld [smem:$0x3FB4];
	_ =	sdelay $0x3  }
0x37: {  	[smem:$0x3FB4] =	sst s10  }
0x38: {  	s10 =	sld [smem:$0x3FB5]  }
0x39: {  	_ = 	snop;
	(pc) =	sbr.ind lr, $3  }
0x3a: {  	_ = 	snop  }
0x3b: {  	_ = 	snop  }
0x3c: {  	p2 =	seq.s32 s10, $0x1;
	s10 =	sld [smem:$0x3FB4]  }
0x3d: {  	_ =	shalt  }
0x3e: {  	_ =	shalt  }
0x3f: {  	_ =	shalt  }
0x40: {  	_ =	shalt  }
0x41: {  	_ =	shalt  }
0x42: {  	_ =	shalt  }
0x43: {  	_ =	shalt  }
0x44: {  	_ =	shalt  }
0x45: {  	_ =	shalt  }
0x46: {  	_ =	shalt  }
0x47: {  	_ =	shalt  }
0x48: {  	_ =	shalt  }
0x49: {  	_ =	shalt  }
0x4a: {  	_ =	shalt  }
0x4b: {  	_ =	shalt  }
0x4c: {  	_ =	shalt  }
0x4d: {  	_ =	shalt  }
0x4e: {  	_ =	shalt  }
0x4f: {  	_ =	shalt  }
0x50: {  	_ =	shalt  }
0x51: {  	_ =	shalt  }
0x52: {  	_ =	shalt  }
0x53: {  	_ =	shalt  }
0x54: {  	_ =	shalt  }
0x55: {  	_ =	shalt  }
0x56: {  	_ =	shalt  }
0x57: {  	_ =	shalt  }
0x58: {  	_ =	shalt  }
0x59: {  	_ =	shalt  }
0x5a: {  	_ =	shalt  }
0x5b: {  	_ =	shalt  }
0x5c: {  	_ =	shalt  }
0x5d: {  	_ =	shalt  }
0x5e: {  	_ =	shalt  }
0x5f: {  	_ =	shalt  }
0x60: {  	_ =	shalt  }
0x61: {  	_ =	shalt  }
0x62: {  	_ =	shalt  }
0x63: {  	_ =	shalt  }
0x64: {  	_ =	shalt  }
0x65: {  	_ =	shalt  }
0x66: {  	_ =	shalt  }
0x67: {  	_ =	shalt  }
0x68: {  	_ =	shalt  }
0x69: {  	_ =	shalt  }
0x6a: {  	_ =	shalt  }
0x6b: {  	_ =	shalt  }
0x6c: {  	_ =	shalt  }
0x6d: {  	_ =	shalt  }
0x6e: {  	_ =	shalt  }
0x6f: {  	_ =	shalt  }
0x70: {  	_ =	shalt  }
0x71: {  	_ =	shalt  }
0x72: {  	_ =	shalt  }
0x73: {  	_ =	shalt  }
0x74: {  	_ =	shalt  }
0x75: {  	_ =	shalt  }
0x76: {  	_ =	shalt  }
0x77: {  	_ =	shalt  }
0x78: {  	_ =	shalt  }
0x79: {  	_ =	shalt  }
0x7a: {  	_ =	shalt  }
0x7b: {  	_ =	shalt  }
0x7c: {  	_ =	shalt  }
0x7d: {  	_ =	shalt  }
0x7e: {  	_ =	shalt  }
0x7f: {  	_ =	shalt  }
0x80: {  	_ =	shalt  }
0x81: {  	_ =	shalt  }
0x82: {  	_ =	shalt  }
0x83: {  	_ =	shalt  }
0x84: {  	_ =	shalt  }
0x85: {  	_ =	shalt  }
0x86: {  	_ =	shalt  }
0x87: {  	_ =	shalt  }
.Lfunc_end0:
.L_simem_size_0:
called_computation_lowered:
.L_overlay_start_0:
0x88: {  	s2 =	sld [smem:$0x3FD9]  }
0x89: {  	s3 =	sld [smem:$0x3FFE];
	_ =	sdelay $0x1  }
0x8a: {  	s1 =	srdreg.scid  }
0x8b: {  	s0 =	sand.u32 $0x1, s1  }
0x8c: {  	s16 =	sshll.u32 s0, $0xA;
	s2 =	sadd.s32 s3, s2  }
0x8d: {  	s2 =	sadd.s32 s2, s16  }
0x8e: {  	[smem:$0x3FC0] =	sst s2  }
0x8f: {  	_ = 	snop  }
0x90: {  	(tm) =	ssettm $0x1  }
0x91: {  	s17 =	sld [smem:$0x3FFB];
	_ =	sdelay $0x3  }
0x92: {  	_ =	strace s17  }
0x93: {  	s2 =	sld [smem:$0x3FFC];
	_ =	sdelay $0x3  }
0x94: {  	_ =	strace s2  }
0x95: {  	s2 =	sld [smem:$0x3FFD];
	_ =	sdelay $0x3  }
0x96: {  	_ =	strace s2  }
0x97: {  	_ =	strace $0x8FFFFFFF  }
0x98: {  	s18 =	sld [smem:$0x3FDB];
	_ =	sdelay $0x1  }
0x99: {  	s19 =	simm.s32 $_scs_section_size  }
0x9a: {  	s4 =	simm.s32 $_size__tile_overlayer_lowered;
	s5 =	simm.s32 $_tile_overlayer_lowered  }
0x9b: {  	s22 =	simm.s32 $0x1BFF;
	s21 =	sshll.u32 s5, $0x1;
	s2 =	sadd.s32 s19, s18  }
0x9c: {  	s6 =	simm.s32 $0x0;
	s20 =	sshll.u32 s4, $0x1;
	s4 =	sadd.s32 s21, s2  }
0x9d: {  	[timem:s6], [sflag:s22] =	dma.local [hbm:s4], s20  }
0x9e: {  	_ =	swait.ge [sflag:s22], s20  }
0x9f: {  	s3 =	ssub.s32 $0x0, s20;
	[sflag:s22] =	ssyncset.done $0x0  }
0xa0: {  	[sflag:s22] =	ssyncadd.s32 s3;
	_ =	sdelay $0x1  }
0xa1: {  	s23 =	simm.s32 $0x1B8B  }
0xa2: {  	_ =	swait.ge [sflag:s23], $0x1  }
0xa3: {  	[sflag:s23] =	ssyncset.done $0x0  }
0xa4: {  	s25 =	simm.s32 $0x1B8E;
	s24 =	sld [smem:$0x3FFE];
	[sflag:s23] =	ssyncadd.s32 $0xFFFFFFFF  }
0xa5: {  	s26 =	simm.s32 $execute0_lowered;
	[smem:$0x3FD2] =	sst s25  }
0xa6: {  	s4 =	sshll.u32 s26, $0x1;
	_ =	strace $0x80000046;
	[dreg:$0x1] =	wrdreg $0xFFFFFFFF  }
0xa7: {  	s28 =	simm.s32 $_size_execute0_lowered;
	s2 =	sadd.s32 s2, s4;
	[dreg:$0x0] =	wrdreg $0x0  }
0xa8: {  	s4 =	sshll.u32 s28, $0x1;
	[dreg:$0x2] =	wrdreg s2  }
0xa9: {  	[dreg:$0x3] =	wrdreg s4  }
0xaa: {  	[dreg:$0x4] =	wrdreg $0xC0  }
0xab: {  	_ =	task [dreg:s6], $0x5FFFF  }
0xac: {  	[dreg:$0x1] =	wrdreg $0xFFFFFFFF  }
0xad: {  	[dreg:$0x0] =	wrdreg $0x60  }
0xae: {  	[dreg:$0x2] =	wrdreg s24  }
0xaf: {  	[dreg:$0x3] =	wrdreg $0x9  }
0xb0: {  	_ =	task.clear_ibuf [dreg:s6], $0x4FFFF;
	_ =	strace $0x90000046  }
0xb1: {  	s29 =	simm.s32 $0x9;
	_ =	strace $0x80000048  }
0xb2: {  	_ =	swait.ge [sflag:s29], $0x1  }
0xb3: {  	[sflag:s29] =	ssyncadd.s32 $0xFFFFFFFF  }
0xb4: {  	_ =	strace $0x90000048  }
0xb5: {  	_ =	sfence  }
0xb6: {  	s30 =	sld [smem:$0x0];
	_ =	sdelay $0x2  }
0xb7: {  	s31 =	sshll.u32 s1, $0xD;
	s1 =	sshrl.u32 s1, $0x2  }
0xb8: {  	s3 =	sand.u32 $0x4000, s31;
	s1 =	sadd.s32 s1, s30  }
0xb9: {  	s0 =	sor.u32 s3, s0;
	s1 =	sshll.u32 s1, $0x11  }
0xba: {  	s0 =	sor.u32 s1, s0  }
0xbb: {  	s0 =	sadd.s32 $0x8F2B, s0  }
0xbc: {  	[sflag:s0] =	ssyncadd.remote.s32 $0x1  }
0xbd: {  	_ =	sfence.sel $0xFFFF  }
0xbe: {  	[dreg:$0x0] =	wrdreg $0xFFFFFFFF;
	(pc) =	sbr.abs _section_cstart, $3  }
0xbf: {  	[dreg:$0x1] =	wrdreg $0xFFFFFFFF  }
0xc0: {  	_ =	task.clear_ibuf [dreg:s6], $0x2FFFF;
	_ =	strace $0x9FFFFFFF  }
0xc1: {  	(tm) =	ssettm $0x7FFFFFFF  }
tec
execute0_lowered:
.L_overlay_start_1:
0x0: {  	(tag) =	ssettag $0x1  }
0x1: {  	s3 =	rddreg [dreg:$0x0]  }
0x2: {  	s0 =	rddreg [dreg:$0x1];
	s4 =	srdreg.scid  }
0x3: {  	s2 =	simm.s32 $0x0;
	s1 =	stileid.u32;
	s4 =	sand.u32 $0x1, s4  }
0x4: {  	s7 =	simm.s32 $0x800;
	s6 =	sshll.u32 s1, $0x8;
	s5 =	sshll.u32 s4, $0xC  }
0x5: {  	s8 =	simm.s32 $0x0;
	s4 =	ssub.s32 $0x2, s4;
	s5 =	sor.u32 s6, s5  }
0x6: {  	[smem:$0x7FF] =	sst s2;
	s31 =	sshrl.u32 s4, $0x1;
	s5 =	sadd.s32 s5, s3  }
0x7: {  	_ =	strace $0x80000047;
	s6 =	ssub.s32 s4, s31;
	s3 =	sadd.s32 $0x1400, s5  }
0x8: {  	s4 =	sadd.s32 $0x3400, s5;
	s5 =	smax.u32 s6, $0x1;
	s6 =	simm.s32 $0x1  }
.LBB2_1:
0x9: {  	[tilespmem:s2], [sflag:$0x1] =	stream.linear.gather [hbm4b:s3+s2], $0x800, $0x38;
	[tilespmem:$0x1000] =	vst v63  }
0xa: {  	_ =	swait.ge [sflag:s6], $0x800  }
0xb: {  	[sflag:s6] =	ssyncset.done $0x0  }
0xc: {  	s9 =	simm.s32 $0x10;
	[sflag:s6] =	ssyncadd.s32 $0xFFFFF800  }
0xd: {  	v3 =	vld [tilespmem:s9+$0xFFFFFFF0];
	_ =	sdelay $0x1  }
0xe: {  	v4 =	vld [tilespmem:s9+$0x0];
	_ =	sdelay $0x1  }
0xf: {  	v0 =	vimm.f32 $-Inf  }
0x10: {  	v1 =	vimm.f32 $+Inf;
	v2 =	vmax.f32 v0, v3  }
0x11: {  	v5 =	vmin.f32 v0, v3;
	v6 =	vmin.f32 v1, v3;
	v8 =	vmax.f32 v1, v3  }
0x12: {  	v9 =	vmax.f32 v0, v5;
	v3 =	vmin.f32 v6, v4;
	v7 =	vmin.f32 v1, v8  }
0x13: {  	v10 =	vmax.f32 v1, v8;
	v8 =	vmax.f32 v6, v4;
	v5 =	vmin.f32 v0, v5  }
0x14: {  	v16 =	vmin.f32 v2, v4;
	v6 =	vmax.f32 v1, v10;
	v15 =	vmax.f32 v7, v8  }
0x15: {  	v12 =	vmin.f32 v0, v5;
	v17 =	vmin.f32 v1, v10;
	v14 =	vmax.f32 v0, v5  }
0x16: {  	v10 =	vmax.f32 v9, v16;
	v5 =	vimm.f32 $-Inf;
	v11 =	vmin.f32 v1, v6  }
0x17: {  	s10 =	simm.s32 $0x30;
	s9 =	simm.s32 $0x0;
	v13 =	vmax.f32 v1, v6;
	v6 =	vmin.f32 v17, v15;
	v15 =	vmax.f32 v17, v15  }
.LBB2_2:
0x18: {  	v17 =	vld [tilespmem:s10+$0xFFFFFFF0];
	s9 =	sadd.s32 $0x2, s9;
	v18 =	vmax.f32 v0, v12;
	v9 =	vmin.f32 v9, v16;
	v16 =	vmin.f32 v11, v15  }
0x19: {  	v0 =	vmin.f32 v0, v12;
	v1 =	vmin.f32 v1, v13;
	v19 =	vld [tilespmem:s10+$0x0];
	p0 =	slt.u32 s9, $0x7E;
	v12 =	vmin.f32 v14, v9  }
0x1a: {  	v11 =	vmax.f32 v11, v15;
	v5 =	vmax.f32 v5, v0;
	v13 =	vmin.f32 v18, v12  }
0x1b: {  	v14 =	vmax.f32 v14, v9;
	v0 =	vmax.f32 v18, v12;
	v5 =	vmax.f32 v5, v13  }
0x1c: {  	v15 =	vmax.f32 v2, v4;
	v8 =	vmin.f32 v7, v8;
	v1 =	vmin.f32 v1, v11  }
0x1d: {  	v2 =	vmax.f32 v15, v17;
	v11 =	vmin.f32 v15, v17;
	v12 =	vmin.f32 v3, v17  }
0x1e: {  	v13 =	vmax.f32 v3, v17;
	v9 =	vmax.f32 v10, v11;
	v3 =	vmin.f32 v12, v19;
	v4 =	vmovc v19  }
.Ltmp0:
0x1f: {  	v7 =	vmin.f32 v8, v13;
	v13 =	vmax.f32 v8, v13;
	v8 =	vmax.f32 v12, v4;
	(pc) =	sbr.rel @p0 .LBB2_2-.Ltmp0, $4  }
0x20: {  	v10 =	vmin.f32 v10, v11;
	v15 =	vmax.f32 v6, v13;
	v17 =	vmax.f32 v7, v8  }
0x21: {  	v12 =	vmin.f32 v14, v10;
	v18 =	vmin.f32 v6, v13;
	v11 =	vmin.f32 v16, v15  }
0x22: {  	v13 =	vmax.f32 v16, v15;
	v16 =	vmin.f32 v2, v4;
	v6 =	vmin.f32 v18, v17  }
0x23: {  	s10 =	sadd.s32 $0x20, s10;
	v14 =	vmax.f32 v14, v10;
	v10 =	vmax.f32 v9, v16;
	v15 =	vmax.f32 v18, v17  }
0x24: {  	[tilespmem:$0x800] =	vst v3  }
0x25: {  	[tilespmem:$0xB00] =	vst v10  }
0x26: {  	v2 =	vmax.f32 v2, v4;
	[tilespmem:$0x900] =	vst v6  }
0x27: {  	v56 =	vmin.f32 v7, v8;
	[tilespmem:$0xA80] =	vst v2  }
0x28: {  	v57 =	vmin.f32 v9, v16;
	v58 =	vmax.f32 v0, v12;
	v60 =	vmin.f32 v11, v15;
	[tilespmem:$0x880] =	vst v56  }
0x29: {  	v1 =	vmin.f32 v1, v13;
	v62 =	vmax.f32 v11, v15;
	v59 =	vmax.f32 v14, v57;
	[tilespmem:$0x980] =	vst v60  }
0x2a: {  	v61 =	vmin.f32 v0, v12;
	v2 =	vmin.f32 v14, v57;
	v1 =	vmin.f32 v1, v62;
	[tilespmem:$0xB80] =	vst v59  }
0x2b: {  	s8 =	sadd.s32 $0x1, s8;
	v0 =	vmax.f32 v5, v61;
	v63 =	vmax.f32 v58, v2;
	v2 =	vmin.f32 v58, v2;
	[tilespmem:$0xA00] =	vst v1  }
0x2c: {  	p0 =	sne.s32 s8, s5;
	[tilespmem:$0xC00] =	vst v63;
	v0 =	vmax.f32 v0, v2  }
.Ltmp1:
0x2d: {  	[tilespmem:$0xC80] =	vst v0;
	(pc) =	sbr.rel @p0 .LBB2_1-.Ltmp1, $4  }
0x2e: {  	[hbm4b:s4+s2] =	stream.linear.scatter [tilespmem:s7], [sflag:$0x1], $0x500, $0x38;
	[tilespmem:$0x1000] =	vst v63  }
0x2f: {  	_ =	swait.ge [sflag:s6], $0x500  }
0x30: {  	[sflag:s6] =	ssyncset.done $0x0  }
0x31: {  	[sflag:s6] =	ssyncadd.s32 $0xFFFFFB00  }
0x32: {  	_ =	sfence.sel $0x180000  }
0x33: {  	[bflag:$0x0] =	sbarrier.arrive $0xFFFF  }
0x34: {  	p0 =	sne.s32 s1, $0x0;
	_ =	strace $0x90000047  }
0x35: {  	s0 =	sadd.s32 @!p0 $0x100000, s0;
	[bflag:$0x2] =	sbarrier.arrive $0xFFFF  }
0x36: {  	[sflag:s0] =	ssyncadd.tile.s32 @!p0 $0x1;
	_ =	shalt  }
.Lfunc_end2:
_tile_overlayer_lowered:
.L_overlay_start_2:
0x37: {  	(tag) =	ssettag $0x2  }
0x38: {  	s0 =	rddreg [dreg:$0x0];
	s2 =	stileid.u32  }
0x39: {  	s1 =	rddreg [dreg:$0x1];
	p0 =	sne.s32 s2, $0x0  }
0x3a: {  	s3 =	rddreg [dreg:$0x2];
	[bflag:$0x3] =	sbarrier.arrive $0xFFFF;
	s2 =	simm.s32 @!p0 $0x1C01  }
0x3b: {  	[timem:s3], [sflag:s2] =	dma.local @!p0 [hbm:s0], s1  }
0x3c: {  	s0 =	simm.s32 @!p0 $0x1  }
0x3d: {  	_ =	swait.ge @!p0 [sflag:s0], s1  }
0x3e: {  	s1 =	ssub.s32 @!p0 $0x0, s1;
	[sflag:s0] =	ssyncset.done @!p0 $0x0  }
0x3f: {  	[sflag:s0] =	ssyncadd.s32 @!p0 s1  }
0x40: {  	[bflag:$0x3] =	sbarrier.arrive $0xFFFF  }
0x41: {  	_ =	shalt  }

</sc_bundles>
